<compile_context>
chip_gen: v7x
topology: tpu7x:2x2x1
jax: 0.10.2.dev20260603
libtpu: 0.0.44.dev20260713+nightly
codegen_flags: <defaults>
</compile_context>

<pallas_src>
import functools

import jax
import jax.numpy as jnp
from jax import lax
from jax.experimental import pallas as pl
from jax.experimental.pallas import tpu as pltpu
from jax.experimental.pallas import tpu_sc as plsc

N = 10000
E = 320000
D = 128
G = 16

NPAD = 10240
EPT = 20480
NCH = EPT // 128
ROWS_PER_TILE = NPAD // 16

@functools.cache
def _mesh():
    return plsc.VectorSubcoreMesh(core_axis_name="c", subcore_axis_name="s")


SUP = 16
NSUP = NCH // SUP


def _sc_agg_body(h_hbm, src_hbm, dst_hbm, zeros_hbm, out_hbm,
                 acc, src_v, dst_v, rows0, rows1, gsem, ssem):
    c = lax.axis_index("c")
    s = lax.axis_index("s")
    base = s * ROWS_PER_TILE
    pltpu.sync_copy(zeros_hbm, acc.at[pl.ds(base, ROWS_PER_TILE)])
    plsc.subcore_barrier()

    def wait_gather():
        pltpu.make_async_copy(h_hbm.at[pl.ds(0, 128)], rows0, gsem).wait()

    def wait_scatter():
        pltpu.make_async_copy(rows0, acc.at[pl.ds(0, 128)], ssem).wait()

    pltpu.sync_copy(src_hbm.at[c, s, pl.ds(0, SUP)], src_v)
    pltpu.sync_copy(dst_hbm.at[c, s, pl.ds(0, SUP)], dst_v)
    pltpu.async_copy(h_hbm.at[src_v.at[0]], rows0, gsem)
    wait_gather()
    pltpu.async_copy(h_hbm.at[src_v.at[1]], rows1, gsem)
    pltpu.async_copy(rows0, acc.at[dst_v.at[0]], ssem, add=True)

    def body(j, carry):
        b = j % 2
        wait_gather()
        wait_scatter()
        @pl.when(j % SUP == 0)
        def _():
            pltpu.sync_copy(
                dst_hbm.at[c, s, pl.ds(pl.multiple_of(j, SUP), SUP)], dst_v)

        @pl.when(j % SUP == SUP - 1)
        def _():
            pltpu.sync_copy(
                src_hbm.at[c, s, pl.ds(pl.multiple_of(j + 1, SUP), SUP)],
                src_v)

        @pl.when(b == 0)
        def _():
            pltpu.async_copy(h_hbm.at[src_v.at[(j + 1) % SUP]], rows1, gsem)
            pltpu.async_copy(rows0, acc.at[dst_v.at[j % SUP]], ssem, add=True)

        @pl.when(b == 1)
        def _():
            pltpu.async_copy(h_hbm.at[src_v.at[(j + 1) % SUP]], rows0, gsem)
            pltpu.async_copy(rows1, acc.at[dst_v.at[j % SUP]], ssem, add=True)

        return carry

    lax.fori_loop(1, NCH - 1, body, 0)
    wait_gather()
    wait_scatter()
    pltpu.async_copy(rows1, acc.at[dst_v.at[SUP - 1]], ssem, add=True)
    wait_scatter()
    plsc.subcore_barrier()
    pltpu.sync_copy(acc.at[pl.ds(base, ROWS_PER_TILE)],
                    out_hbm.at[pl.ds(c * NPAD + base, ROWS_PER_TILE)])


@functools.partial(jax.jit, static_argnums=())
def _sc_agg(h, src, dst, zeros):
    k = pl.kernel(
        _sc_agg_body,
        mesh=_mesh(),
        out_type=jax.ShapeDtypeStruct((2 * NPAD, D), jnp.float32),
        scratch_types=[
            pltpu.VMEM_SHARED((NPAD, D), jnp.float32),
            pltpu.VMEM((SUP, 128), jnp.int32),
            pltpu.VMEM((SUP, 128), jnp.int32),
            pltpu.VMEM((128, D), jnp.float32),
            pltpu.VMEM((128, D), jnp.float32),
            pltpu.SemaphoreType.DMA,
            pltpu.SemaphoreType.DMA,
        ],
    )
    return k(h, src, dst, zeros)


BN = 2048


def _gin_mm_body(h_ref, agg_ref, w_ref, b_ref, o_ref):
    m = h_ref[...] + agg_ref[...]
    o_ref[...] = jnp.maximum(
        jnp.dot(m, w_ref[...], preferred_element_type=jnp.float32) + b_ref[...],
        0.0)


def _gin_mm(h, agg, W, b2d):
    M = h.shape[0]
    return pl.pallas_call(
        _gin_mm_body,
        grid=(M // BN,),
        in_specs=[
            pl.BlockSpec((BN, D), lambda i: (i, 0)),
            pl.BlockSpec((BN, D), lambda i: (i, 0)),
            pl.BlockSpec((D, D), lambda i: (0, 0)),
            pl.BlockSpec((1, D), lambda i: (0, 0)),
        ],
        out_specs=pl.BlockSpec((BN, D), lambda i: (i, 0)),
        out_shape=jax.ShapeDtypeStruct((M, D), jnp.float32),
    )(h, agg, W, b2d)


def _final_body(h_ref, agg_ref, w_ref, b_ref, batch_ref, wp_ref, bp_ref,
                o_ref, accp, cntp):
    i = pl.program_id(0)

    @pl.when(i == 0)
    def _():
        accp[...] = jnp.zeros_like(accp)
        cntp[...] = jnp.zeros_like(cntp)

    m = h_ref[...] + agg_ref[...]
    h3 = jnp.maximum(
        jnp.dot(m, w_ref[...], preferred_element_type=jnp.float32) + b_ref[...],
        0.0)
    bid = batch_ref[...].reshape(1, BN)
    oh = (lax.broadcasted_iota(jnp.int32, (G, BN), 0) == bid).astype(jnp.float32)
    accp[...] += jnp.dot(oh, h3, preferred_element_type=jnp.float32)
    cntp[...] += jnp.broadcast_to(jnp.sum(oh, axis=1, keepdims=True), (G, D))

    @pl.when(i == pl.num_programs(0) - 1)
    def _():
        mean = accp[...] / jnp.maximum(cntp[...] * 0.5, 1.0)
        logits = jnp.dot(mean, wp_ref[...],
                         preferred_element_type=jnp.float32) + bp_ref[...]
        o_ref[...] = jax.nn.sigmoid(logits)


def _final_tc(h, agg, W, b2d, batch3d, wp_pad, bp_pad):
    M = h.shape[0]
    return pl.pallas_call(
        _final_body,
        grid=(M // BN,),
        in_specs=[
            pl.BlockSpec((BN, D), lambda i: (i, 0)),
            pl.BlockSpec((BN, D), lambda i: (i, 0)),
            pl.BlockSpec((D, D), lambda i: (0, 0)),
            pl.BlockSpec((1, D), lambda i: (0, 0)),
            pl.BlockSpec((1, 1, BN), lambda i: (i, 0, 0)),
            pl.BlockSpec((D, D), lambda i: (0, 0)),
            pl.BlockSpec((1, D), lambda i: (0, 0)),
        ],
        out_specs=pl.BlockSpec((G, D), lambda i: (0, 0)),
        out_shape=jax.ShapeDtypeStruct((G, D), jnp.float32),
        scratch_shapes=[
            pltpu.VMEM((G, D), jnp.float32),
            pltpu.VMEM((G, D), jnp.float32),
        ],
    )(h, agg, W, b2d, batch3d, wp_pad, bp_pad)


def kernel(x, edge_index_FC, batch, x_SC, edge_index_SC,
           W1, b1, W2, b2, W3, b3, Wp, bp):
    f32 = jnp.float32
    xpad = jnp.zeros((NPAD, D), f32).at[:N].set(x)
    xscpad = jnp.zeros((NPAD, D), f32).at[:N].set(x_SC)
    H = jnp.concatenate([xpad, xscpad], axis=0)

    pad_e = 16 * EPT - E
    def prep(ei, src_off):
        src = jnp.concatenate([ei[0] + src_off,
                               jnp.full((pad_e,), src_off, jnp.int32)])
        dst = jnp.concatenate([ei[1], jnp.full((pad_e,), N, jnp.int32)])
        return src.reshape(16, NCH, 128), dst.reshape(16, NCH, 128)

    src_fc, dst_fc = prep(edge_index_FC, 0)
    src_sc, dst_sc = prep(edge_index_SC, NPAD)
    src_all = jnp.stack([src_fc, src_sc])
    dst_all = jnp.stack([dst_fc, dst_sc])

    zeros = jnp.zeros((ROWS_PER_TILE, D), f32)
    batch_pad = jnp.concatenate([batch, jnp.full((NPAD - N,), G, jnp.int32)])
    batch3d = jnp.tile(batch_pad, 2).reshape(2 * NPAD // BN, 1, BN)

    b1p = b1.reshape(1, D)
    b2p = b2.reshape(1, D)
    b3p = b3.reshape(1, D)
    wp_pad = jnp.zeros((D, D), f32).at[:, :1].set(Wp)
    bp_pad = jnp.broadcast_to(bp.reshape(1, 1), (1, D))

    AGG = _sc_agg(H, src_all, dst_all, zeros)
    H = _gin_mm(H, AGG, W1, b1p)
    AGG = _sc_agg(H, src_all, dst_all, zeros)
    H = _gin_mm(H, AGG, W2, b2p)
    AGG = _sc_agg(H, src_all, dst_all, zeros)
    out = _final_tc(H, AGG, W3, b3p, batch3d, wp_pad, bp_pad)
    return out[:, :1]

# --- scband reference (transcript-rebuilt; emitter-appended) ---
"""Pipeline reference for scband-transformers-86698209837724 (READ-ONLY COPY).

The authoritative reference and input builder live on the scoring server;
editing this copy changes nothing except your own understanding.
"""

import jax, jax.numpy as jnp
import numpy as np

N = 10000
E = 320000
D = 128
G = 16

def setup_inputs(seed: int = 0) -> dict:
    key = jax.random.key(seed)
    ks = jax.random.split(key, 16)
    x = jax.random.normal(ks[0], (N, D), dtype=jnp.float32)
    x_SC = jax.random.normal(ks[1], (N, D), dtype=jnp.float32)
    edge_index_FC = jax.random.randint(ks[2], (2, E), 0, N, dtype=jnp.int32)
    edge_index_SC = jax.random.randint(ks[3], (2, E), 0, N, dtype=jnp.int32)
    batch = jnp.sort(jax.random.randint(ks[4], (N,), 0, G, dtype=jnp.int32))
    # GIN layer MLP params (Linear + ReLU inside each GINConv's nn)
    W1 = jax.random.normal(ks[5], (D, D), dtype=jnp.float32) * 0.05
    b1 = jnp.zeros((D,), dtype=jnp.float32)
    W2 = jax.random.normal(ks[6], (D, D), dtype=jnp.float32) * 0.05
    b2 = jnp.zeros((D,), dtype=jnp.float32)
    W3 = jax.random.normal(ks[7], (D, D), dtype=jnp.float32) * 0.05
    b3 = jnp.zeros((D,), dtype=jnp.float32)
    # final prediction head: out_channels -> n_vars (=1)
    Wp = jax.random.normal(ks[8], (D, 1), dtype=jnp.float32) * 0.05
    bp = jnp.zeros((1,), dtype=jnp.float32)
    return {"x": x, "edge_index_FC": edge_index_FC, "batch": batch,
            "x_SC": x_SC, "edge_index_SC": edge_index_SC,
            "W1": W1, "b1": b1, "W2": W2, "b2": b2, "W3": W3, "b3": b3,
            "Wp": Wp, "bp": bp}

def reference(x, edge_index_FC, batch, x_SC, edge_index_SC,
              W1, b1, W2, b2, W3, b3, Wp, bp):
    def gin(h, ei, W, b):
        # GINConv with eps=0: nn((1+eps)*h + sum_{j in N(i)} h_j); nn = Linear -> ReLU
        agg = jnp.zeros_like(h).at[ei[1]].add(h[ei[0]])
        m = h + agg
        return jnp.maximum(m @ W + b, 0.0)

    def stream(h, ei):
        h = gin(h, ei, W1, b1)
        h = jnp.maximum(h, 0.0)  # dropout(p=0) + F.relu between layers
        h = gin(h, ei, W2, b2)
        h = jnp.maximum(h, 0.0)
        h = gin(h, ei, W3, b3)
        # global_mean_pool
        s = jax.ops.segment_sum(h, batch, num_segments=G)
        cnt = jax.ops.segment_sum(jnp.ones((h.shape[0], 1), h.dtype), batch, num_segments=G)
        return s / jnp.maximum(cnt, 1.0)

    out = stream(x, edge_index_FC) + stream(x_SC, edge_index_SC)
    return jax.nn.sigmoid(out @ Wp + bp)

if __name__ == "__main__":
    import jax
    _d = setup_inputs()
    print(jax.jit(kernel)(*tuple(_d.values())))

</pallas_src>

<mosaic_0001>
#map = affine_map<(d0, d1) -> (0, 0)>
#map1 = affine_map<(d0, d1) -> (0, 0, 0, 0)>
module attributes {stable_mosaic.version = 14 : i64} {
  func.func @_sc_agg_body(%arg0: i32, %arg1: i32, %arg2: memref<20480x128xf32, #tpu.memory_space<hbm>>, %arg3: memref<2x16x160x128xi32, #tpu.memory_space<hbm>>, %arg4: memref<2x16x160x128xi32, #tpu.memory_space<hbm>>, %arg5: memref<640x128xf32, #tpu.memory_space<hbm>>, %arg6: memref<20480x128xf32, #tpu.memory_space<hbm>>, %arg7: memref<10240x128xf32, #tpu.memory_space<vmem_shared>>, %arg8: memref<16x128xi32, #tpu.memory_space<vmem>>, %arg9: memref<16x128xi32, #tpu.memory_space<vmem>>, %arg10: memref<128x128xf32, #tpu.memory_space<vmem>>, %arg11: memref<128x128xf32, #tpu.memory_space<vmem>>, %arg12: memref<!tpu.dma_semaphore, #tpu.memory_space<semaphore_mem>>, %arg13: memref<!tpu.dma_semaphore, #tpu.memory_space<semaphore_mem>>) attributes {dimension_semantics = [#tpu.dimension_semantics<core_parallel>, #tpu.dimension_semantics<subcore_parallel>], iteration_bounds = array<i64: 2, 16>, scalar_prefetch = 0 : i64, scratch_operands = 7 : i64, tpu.core_type = #tpu.core_type<sc_vector_subcore>, window_params = [{transform_indices = #map}, {transform_indices = #map1}, {transform_indices = #map1}, {transform_indices = #map}, {transform_indices = #map}]} {
    %mul3A = arith.constant 640 : i32
    %mul3A_0 = arith.muli %arg1, %mul3A : i32
    "tpu.region"() ({
      %run_scoped3A = tpu.sem_alloc : memref<!tpu.dma_semaphore, #tpu.memory_space<semaphore_mem>>
      %dma_start3A_59 = arith.constant 0 : i32
      %dma_start3A_60 = tpu.memref_slice %arg7[%mul3A_0, %dma_start3A_59] : memref<10240x128xf32, #tpu.memory_space<vmem_shared>> -> memref<640x128xf32, #tpu.memory_space<vmem_shared>>
      tpu.enqueue_dma source(%arg5 : memref<640x128xf32, #tpu.memory_space<hbm>>) target(%dma_start3A_60 : memref<640x128xf32, #tpu.memory_space<vmem_shared>>) target_semaphore(%run_scoped3A : memref<!tpu.dma_semaphore, #tpu.memory_space<semaphore_mem>>)
      %dma_wait3A_61 = arith.constant 0 : i32
      %dma_wait3A_62 = tpu.memref_slice %arg7[%mul3A_0, %dma_wait3A_61] : memref<10240x128xf32, #tpu.memory_space<vmem_shared>> -> memref<640x128xf32, #tpu.memory_space<vmem_shared>>
      tpu.wait_dma2 semaphore(%run_scoped3A : memref<!tpu.dma_semaphore, #tpu.memory_space<semaphore_mem>>) src(%arg5 : memref<640x128xf32, #tpu.memory_space<hbm>>) dst(%dma_wait3A_62 : memref<640x128xf32, #tpu.memory_space<vmem_shared>>)
      tpu.yield
    }) : () -> ()
    %barrier3A = arith.constant 0 : index
    tpu.barrier barrier_id(%barrier3A)
    "tpu.region"() ({
      %run_scoped3A = tpu.sem_alloc : memref<!tpu.dma_semaphore, #tpu.memory_space<semaphore_mem>>
      %dma_start3A_59 = arith.constant 0 : i32
      %dma_start3A_60 = arith.constant 0 : i32
      %dma_start3A_61 = tpu.memref_slice %arg3[%arg0, %arg1, %dma_start3A_59, %dma_start3A_60] : memref<2x16x160x128xi32, #tpu.memory_space<hbm>> -> memref<1x1x16x128xi32, #tpu.memory_space<hbm>>
      %dma_start3A_62 = tpu.memref_squeeze %dma_start3A_61 : memref<1x1x16x128xi32, #tpu.memory_space<hbm>> -> memref<16x128xi32, #tpu.memory_space<hbm>>
      %dma_start3A_63 = arith.constant 0 : i32
      %dma_start3A_64 = arith.constant 0 : i32
      %dma_start3A_65 = tpu.memref_slice %arg3[%arg0, %arg1, %dma_start3A_63, %dma_start3A_64] : memref<2x16x160x128xi32, #tpu.memory_space<hbm>> -> memref<1x1x16x128xi32, #tpu.memory_space<hbm>>
      %dma_start3A_66 = tpu.memref_squeeze %dma_start3A_65 : memref<1x1x16x128xi32, #tpu.memory_space<hbm>> -> memref<16x128xi32, #tpu.memory_space<hbm>>
      tpu.enqueue_dma source(%dma_start3A_66 : memref<16x128xi32, #tpu.memory_space<hbm>>) target(%arg8 : memref<16x128xi32, #tpu.memory_space<vmem>>) target_semaphore(%run_scoped3A : memref<!tpu.dma_semaphore, #tpu.memory_space<semaphore_mem>>)
      %dma_wait3A_67 = arith.constant 0 : i32
      %dma_wait3A_68 = arith.constant 0 : i32
      %dma_wait3A_69 = tpu.memref_slice %arg3[%arg0, %arg1, %dma_wait3A_67, %dma_wait3A_68] : memref<2x16x160x128xi32, #tpu.memory_space<hbm>> -> memref<1x1x16x128xi32, #tpu.memory_space<hbm>>
      %dma_wait3A_70 = tpu.memref_squeeze %dma_wait3A_69 : memref<1x1x16x128xi32, #tpu.memory_space<hbm>> -> memref<16x128xi32, #tpu.memory_space<hbm>>
      %dma_wait3A_71 = arith.constant 0 : i32
      %dma_wait3A_72 = arith.constant 0 : i32
      %dma_wait3A_73 = tpu.memref_slice %arg3[%arg0, %arg1, %dma_wait3A_71, %dma_wait3A_72] : memref<2x16x160x128xi32, #tpu.memory_space<hbm>> -> memref<1x1x16x128xi32, #tpu.memory_space<hbm>>
      %dma_wait3A_74 = tpu.memref_squeeze %dma_wait3A_73 : memref<1x1x16x128xi32, #tpu.memory_space<hbm>> -> memref<16x128xi32, #tpu.memory_space<hbm>>
      tpu.wait_dma2 semaphore(%run_scoped3A : memref<!tpu.dma_semaphore, #tpu.memory_space<semaphore_mem>>) src(%dma_wait3A_74 : memref<16x128xi32, #tpu.memory_space<hbm>>) dst(%arg8 : memref<16x128xi32, #tpu.memory_space<vmem>>)
      tpu.yield
    }) : () -> ()
    "tpu.region"() ({
      %run_scoped3A = tpu.sem_alloc : memref<!tpu.dma_semaphore, #tpu.memory_space<semaphore_mem>>
      %dma_start3A_59 = arith.constant 0 : i32
      %dma_start3A_60 = arith.constant 0 : i32
      %dma_start3A_61 = tpu.memref_slice %arg4[%arg0, %arg1, %dma_start3A_59, %dma_start3A_60] : memref<2x16x160x128xi32, #tpu.memory_space<hbm>> -> memref<1x1x16x128xi32, #tpu.memory_space<hbm>>
      %dma_start3A_62 = tpu.memref_squeeze %dma_start3A_61 : memref<1x1x16x128xi32, #tpu.memory_space<hbm>> -> memref<16x128xi32, #tpu.memory_space<hbm>>
      %dma_start3A_63 = arith.constant 0 : i32
      %dma_start3A_64 = arith.constant 0 : i32
      %dma_start3A_65 = tpu.memref_slice %arg4[%arg0, %arg1, %dma_start3A_63, %dma_start3A_64] : memref<2x16x160x128xi32, #tpu.memory_space<hbm>> -> memref<1x1x16x128xi32, #tpu.memory_space<hbm>>
      %dma_start3A_66 = tpu.memref_squeeze %dma_start3A_65 : memref<1x1x16x128xi32, #tpu.memory_space<hbm>> -> memref<16x128xi32, #tpu.memory_space<hbm>>
      tpu.enqueue_dma source(%dma_start3A_66 : memref<16x128xi32, #tpu.memory_space<hbm>>) target(%arg9 : memref<16x128xi32, #tpu.memory_space<vmem>>) target_semaphore(%run_scoped3A : memref<!tpu.dma_semaphore, #tpu.memory_space<semaphore_mem>>)
      %dma_wait3A_67 = arith.constant 0 : i32
      %dma_wait3A_68 = arith.constant 0 : i32
      %dma_wait3A_69 = tpu.memref_slice %arg4[%arg0, %arg1, %dma_wait3A_67, %dma_wait3A_68] : memref<2x16x160x128xi32, #tpu.memory_space<hbm>> -> memref<1x1x16x128xi32, #tpu.memory_space<hbm>>
      %dma_wait3A_70 = tpu.memref_squeeze %dma_wait3A_69 : memref<1x1x16x128xi32, #tpu.memory_space<hbm>> -> memref<16x128xi32, #tpu.memory_space<hbm>>
      %dma_wait3A_71 = arith.constant 0 : i32
      %dma_wait3A_72 = arith.constant 0 : i32
      %dma_wait3A_73 = tpu.memref_slice %arg4[%arg0, %arg1, %dma_wait3A_71, %dma_wait3A_72] : memref<2x16x160x128xi32, #tpu.memory_space<hbm>> -> memref<1x1x16x128xi32, #tpu.memory_space<hbm>>
      %dma_wait3A_74 = tpu.memref_squeeze %dma_wait3A_73 : memref<1x1x16x128xi32, #tpu.memory_space<hbm>> -> memref<16x128xi32, #tpu.memory_space<hbm>>
      tpu.wait_dma2 semaphore(%run_scoped3A : memref<!tpu.dma_semaphore, #tpu.memory_space<semaphore_mem>>) src(%dma_wait3A_74 : memref<16x128xi32, #tpu.memory_space<hbm>>) dst(%arg9 : memref<16x128xi32, #tpu.memory_space<vmem>>)
      tpu.yield
    }) : () -> ()
    %dma_start3A = arith.constant 0 : i32
    %dma_start3A_1 = arith.constant 0 : i32
    %dma_start3A_2 = tpu.memref_slice %arg8[%dma_start3A, %dma_start3A_1] : memref<16x128xi32, #tpu.memory_space<vmem>> -> memref<1x128xi32, #tpu.memory_space<vmem>>
    %dma_start3A_3 = tpu.memref_squeeze %dma_start3A_2 : memref<1x128xi32, #tpu.memory_space<vmem>> -> memref<128xi32, #tpu.memory_space<vmem>>
    %dma_start3A_4 = arith.constant 0 : i32
    %dma_start3A_5 = arith.constant 0 : i32
    %dma_start3A_6 = tpu.memref_slice %arg2[%dma_start3A_4, %dma_start3A_5] : memref<20480x128xf32, #tpu.memory_space<hbm>> -> memref<20480x128xf32, #tpu.memory_space<hbm>>
    tpu.enqueue_indirect_dma source(%dma_start3A_6 : memref<20480x128xf32, #tpu.memory_space<hbm>>) target(%arg10 : memref<128x128xf32, #tpu.memory_space<vmem>>) offsets(%dma_start3A_3 : memref<128xi32, #tpu.memory_space<vmem>>) semaphore(%arg12 : memref<!tpu.dma_semaphore, #tpu.memory_space<semaphore_mem>>)
    %dma_wait3A = arith.constant 0 : i32
    %dma_wait3A_7 = arith.constant 0 : i32
    %dma_wait3A_8 = tpu.memref_slice %arg2[%dma_wait3A, %dma_wait3A_7] : memref<20480x128xf32, #tpu.memory_space<hbm>> -> memref<128x128xf32, #tpu.memory_space<hbm>>
    %dma_wait3A_9 = arith.constant 0 : i32
    %dma_wait3A_10 = arith.constant 0 : i32
    %dma_wait3A_11 = tpu.memref_slice %arg2[%dma_wait3A_9, %dma_wait3A_10] : memref<20480x128xf32, #tpu.memory_space<hbm>> -> memref<128x128xf32, #tpu.memory_space<hbm>>
    tpu.wait_dma2 semaphore(%arg12 : memref<!tpu.dma_semaphore, #tpu.memory_space<semaphore_mem>>) src(%dma_wait3A_11 : memref<128x128xf32, #tpu.memory_space<hbm>>) dst(%arg10 : memref<128x128xf32, #tpu.memory_space<vmem>>)
    %dma_start3A_12 = arith.constant 1 : i32
    %dma_start3A_13 = arith.constant 0 : i32
    %dma_start3A_14 = tpu.memref_slice %arg8[%dma_start3A_12, %dma_start3A_13] : memref<16x128xi32, #tpu.memory_space<vmem>> -> memref<1x128xi32, #tpu.memory_space<vmem>>
    %dma_start3A_15 = tpu.memref_squeeze %dma_start3A_14 : memref<1x128xi32, #tpu.memory_space<vmem>> -> memref<128xi32, #tpu.memory_space<vmem>>
    %dma_start3A_16 = arith.constant 0 : i32
    %dma_start3A_17 = arith.constant 0 : i32
    %dma_start3A_18 = tpu.memref_slice %arg2[%dma_start3A_16, %dma_start3A_17] : memref<20480x128xf32, #tpu.memory_space<hbm>> -> memref<20480x128xf32, #tpu.memory_space<hbm>>
    tpu.enqueue_indirect_dma source(%dma_start3A_18 : memref<20480x128xf32, #tpu.memory_space<hbm>>) target(%arg11 : memref<128x128xf32, #tpu.memory_space<vmem>>) offsets(%dma_start3A_15 : memref<128xi32, #tpu.memory_space<vmem>>) semaphore(%arg12 : memref<!tpu.dma_semaphore, #tpu.memory_space<semaphore_mem>>)
    %dma_start3A_19 = arith.constant 0 : i32
    %dma_start3A_20 = arith.constant 0 : i32
    %dma_start3A_21 = tpu.memref_slice %arg9[%dma_start3A_19, %dma_start3A_20] : memref<16x128xi32, #tpu.memory_space<vmem>> -> memref<1x128xi32, #tpu.memory_space<vmem>>
    %dma_start3A_22 = tpu.memref_squeeze %dma_start3A_21 : memref<1x128xi32, #tpu.memory_space<vmem>> -> memref<128xi32, #tpu.memory_space<vmem>>
    %dma_start3A_23 = arith.constant 0 : i32
    %dma_start3A_24 = arith.constant 0 : i32
    %dma_start3A_25 = tpu.memref_slice %arg7[%dma_start3A_23, %dma_start3A_24] : memref<10240x128xf32, #tpu.memory_space<vmem_shared>> -> memref<10240x128xf32, #tpu.memory_space<vmem_shared>>
    tpu.enqueue_indirect_dma source(%arg10 : memref<128x128xf32, #tpu.memory_space<vmem>>) target(%dma_start3A_25 : memref<10240x128xf32, #tpu.memory_space<vmem_shared>>) offsets(%dma_start3A_22 : memref<128xi32, #tpu.memory_space<vmem>>) semaphore(%arg13 : memref<!tpu.dma_semaphore, #tpu.memory_space<semaphore_mem>>) {add = true}
    %scan3A = arith.constant 0 : i32
    %scan3A_26 = arith.constant 1 : i32
    %scan3A_27 = arith.constant 158 : i32
    %scan3A_28 = arith.addi %scan3A_26, %scan3A_27 : i32
    %scan3A_29 = arith.constant 1 : i32
    scf.for %scan3A_59 = %scan3A_26 to %scan3A_28 step %scan3A_29  : i32 {
      %jit3A = arith.constant 2 : i32
      %eq3A = arith.constant 0 : i32
      %eq3A_60 = arith.cmpi eq, %jit3A, %eq3A : i32
      %jit3A_61 = arith.constant 1 : i32
      %select_n3A = arith.select %eq3A_60, %jit3A_61, %jit3A : i32
      %rem3A = arith.remsi %scan3A_59, %select_n3A : i32
      %ne3A = arith.constant 0 : i32
      %ne3A_62 = arith.cmpi ne, %rem3A, %ne3A : i32
      %lt3A = arith.constant 0 : i32
      %lt3A_63 = arith.cmpi slt, %rem3A, %lt3A : i32
      %lt3A_64 = arith.constant 0 : i32
      %lt3A_65 = arith.cmpi slt, %select_n3A, %lt3A_64 : i32
      %ne3A_66 = arith.xori %lt3A_63, %lt3A_65 : i1
      %and3A = arith.andi %ne3A_66, %ne3A_62 : i1
      %add3A_67 = arith.addi %rem3A, %select_n3A : i32
      %select_n3A_68 = arith.select %and3A, %add3A_67, %rem3A : i32
      %dma_wait3A_69 = arith.constant 0 : i32
      %dma_wait3A_70 = arith.constant 0 : i32
      %dma_wait3A_71 = tpu.memref_slice %arg2[%dma_wait3A_69, %dma_wait3A_70] : memref<20480x128xf32, #tpu.memory_space<hbm>> -> memref<128x128xf32, #tpu.memory_space<hbm>>
      %dma_wait3A_72 = arith.constant 0 : i32
      %dma_wait3A_73 = arith.constant 0 : i32
      %dma_wait3A_74 = tpu.memref_slice %arg2[%dma_wait3A_72, %dma_wait3A_73] : memref<20480x128xf32, #tpu.memory_space<hbm>> -> memref<128x128xf32, #tpu.memory_space<hbm>>
      tpu.wait_dma2 semaphore(%arg12 : memref<!tpu.dma_semaphore, #tpu.memory_space<semaphore_mem>>) src(%dma_wait3A_74 : memref<128x128xf32, #tpu.memory_space<hbm>>) dst(%arg10 : memref<128x128xf32, #tpu.memory_space<vmem>>)
      %dma_wait3A_75 = arith.constant 0 : i32
      %dma_wait3A_76 = arith.constant 0 : i32
      %dma_wait3A_77 = tpu.memref_slice %arg7[%dma_wait3A_75, %dma_wait3A_76] : memref<10240x128xf32, #tpu.memory_space<vmem_shared>> -> memref<128x128xf32, #tpu.memory_space<vmem_shared>>
      %dma_wait3A_78 = arith.constant 0 : i32
      %dma_wait3A_79 = arith.constant 0 : i32
      %dma_wait3A_80 = tpu.memref_slice %arg7[%dma_wait3A_78, %dma_wait3A_79] : memref<10240x128xf32, #tpu.memory_space<vmem_shared>> -> memref<128x128xf32, #tpu.memory_space<vmem_shared>>
      tpu.wait_dma2 semaphore(%arg13 : memref<!tpu.dma_semaphore, #tpu.memory_space<semaphore_mem>>) src(%arg10 : memref<128x128xf32, #tpu.memory_space<vmem>>) dst(%dma_wait3A_80 : memref<128x128xf32, #tpu.memory_space<vmem_shared>>)
      %jit3A_81 = arith.constant 16 : i32
      %eq3A_82 = arith.constant 0 : i32
      %eq3A_83 = arith.cmpi eq, %jit3A_81, %eq3A_82 : i32
      %jit3A_84 = arith.constant 1 : i32
      %select_n3A_85 = arith.select %eq3A_83, %jit3A_84, %jit3A_81 : i32
      %rem3A_86 = arith.remsi %scan3A_59, %select_n3A_85 : i32
      %ne3A_87 = arith.constant 0 : i32
      %ne3A_88 = arith.cmpi ne, %rem3A_86, %ne3A_87 : i32
      %lt3A_89 = arith.constant 0 : i32
      %lt3A_90 = arith.cmpi slt, %rem3A_86, %lt3A_89 : i32
      %lt3A_91 = arith.constant 0 : i32
      %lt3A_92 = arith.cmpi slt, %select_n3A_85, %lt3A_91 : i32
      %ne3A_93 = arith.xori %lt3A_90, %lt3A_92 : i1
      %and3A_94 = arith.andi %ne3A_93, %ne3A_88 : i1
      %add3A_95 = arith.addi %rem3A_86, %select_n3A_85 : i32
      %select_n3A_96 = arith.select %and3A_94, %add3A_95, %rem3A_86 : i32
      %eq3A_97 = arith.constant 0 : i32
      %eq3A_98 = arith.cmpi eq, %select_n3A_96, %eq3A_97 : i32
      %convert_element_type3A = arith.extui %eq3A_98 : i1 to i32
      %cond3A = arith.constant 0 : i32
      %cond3A_99 = arith.cmpi ne, %convert_element_type3A, %cond3A : i32
      scf.if %cond3A_99 {
        %multiple_of3A = tpu.assume_multiple %scan3A_59, 16 : i32
        "tpu.region"() ({
          %run_scoped3A = tpu.sem_alloc : memref<!tpu.dma_semaphore, #tpu.memory_space<semaphore_mem>>
          %dma_start3A_131 = arith.constant 0 : i32
          %dma_start3A_132 = tpu.memref_slice %arg4[%arg0, %arg1, %multiple_of3A, %dma_start3A_131] : memref<2x16x160x128xi32, #tpu.memory_space<hbm>> -> memref<1x1x16x128xi32, #tpu.memory_space<hbm>>
          %dma_start3A_133 = tpu.memref_squeeze %dma_start3A_132 : memref<1x1x16x128xi32, #tpu.memory_space<hbm>> -> memref<16x128xi32, #tpu.memory_space<hbm>>
          %dma_start3A_134 = arith.constant 0 : i32
          %dma_start3A_135 = tpu.memref_slice %arg4[%arg0, %arg1, %multiple_of3A, %dma_start3A_134] : memref<2x16x160x128xi32, #tpu.memory_space<hbm>> -> memref<1x1x16x128xi32, #tpu.memory_space<hbm>>
          %dma_start3A_136 = tpu.memref_squeeze %dma_start3A_135 : memref<1x1x16x128xi32, #tpu.memory_space<hbm>> -> memref<16x128xi32, #tpu.memory_space<hbm>>
          tpu.enqueue_dma source(%dma_start3A_136 : memref<16x128xi32, #tpu.memory_space<hbm>>) target(%arg9 : memref<16x128xi32, #tpu.memory_space<vmem>>) target_semaphore(%run_scoped3A : memref<!tpu.dma_semaphore, #tpu.memory_space<semaphore_mem>>)
          %dma_wait3A_137 = arith.constant 0 : i32
          %dma_wait3A_138 = tpu.memref_slice %arg4[%arg0, %arg1, %multiple_of3A, %dma_wait3A_137] : memref<2x16x160x128xi32, #tpu.memory_space<hbm>> -> memref<1x1x16x128xi32, #tpu.memory_space<hbm>>
          %dma_wait3A_139 = tpu.memref_squeeze %dma_wait3A_138 : memref<1x1x16x128xi32, #tpu.memory_space<hbm>> -> memref<16x128xi32, #tpu.memory_space<hbm>>
          %dma_wait3A_140 = arith.constant 0 : i32
          %dma_wait3A_141 = tpu.memref_slice %arg4[%arg0, %arg1, %multiple_of3A, %dma_wait3A_140] : memref<2x16x160x128xi32, #tpu.memory_space<hbm>> -> memref<1x1x16x128xi32, #tpu.memory_space<hbm>>
          %dma_wait3A_142 = tpu.memref_squeeze %dma_wait3A_141 : memref<1x1x16x128xi32, #tpu.memory_space<hbm>> -> memref<16x128xi32, #tpu.memory_space<hbm>>
          tpu.wait_dma2 semaphore(%run_scoped3A : memref<!tpu.dma_semaphore, #tpu.memory_space<semaphore_mem>>) src(%dma_wait3A_142 : memref<16x128xi32, #tpu.memory_space<hbm>>) dst(%arg9 : memref<16x128xi32, #tpu.memory_space<vmem>>)
          tpu.yield
        }) : () -> ()
      } else {
      }
      %jit3A_100 = arith.constant 16 : i32
      %eq3A_101 = arith.constant 0 : i32
      %eq3A_102 = arith.cmpi eq, %jit3A_100, %eq3A_101 : i32
      %jit3A_103 = arith.constant 1 : i32
      %select_n3A_104 = arith.select %eq3A_102, %jit3A_103, %jit3A_100 : i32
      %rem3A_105 = arith.remsi %scan3A_59, %select_n3A_104 : i32
      %ne3A_106 = arith.constant 0 : i32
      %ne3A_107 = arith.cmpi ne, %rem3A_105, %ne3A_106 : i32
      %lt3A_108 = arith.constant 0 : i32
      %lt3A_109 = arith.cmpi slt, %rem3A_105, %lt3A_108 : i32
      %lt3A_110 = arith.constant 0 : i32
      %lt3A_111 = arith.cmpi slt, %select_n3A_104, %lt3A_110 : i32
      %ne3A_112 = arith.xori %lt3A_109, %lt3A_111 : i1
      %and3A_113 = arith.andi %ne3A_112, %ne3A_107 : i1
      %add3A_114 = arith.addi %rem3A_105, %select_n3A_104 : i32
      %select_n3A_115 = arith.select %and3A_113, %add3A_114, %rem3A_105 : i32
      %eq3A_116 = arith.constant 15 : i32
      %eq3A_117 = arith.cmpi eq, %select_n3A_115, %eq3A_116 : i32
      %convert_element_type3A_118 = arith.extui %eq3A_117 : i1 to i32
      %cond3A_119 = arith.constant 0 : i32
      %cond3A_120 = arith.cmpi ne, %convert_element_type3A_118, %cond3A_119 : i32
      scf.if %cond3A_120 {
        %add3A_131 = arith.constant 1 : i32
        %add3A_132 = arith.addi %scan3A_59, %add3A_131 : i32
        %multiple_of3A = tpu.assume_multiple %add3A_132, 16 : i32
        "tpu.region"() ({
          %run_scoped3A = tpu.sem_alloc : memref<!tpu.dma_semaphore, #tpu.memory_space<semaphore_mem>>
          %dma_start3A_133 = arith.constant 0 : i32
          %dma_start3A_134 = tpu.memref_slice %arg3[%arg0, %arg1, %multiple_of3A, %dma_start3A_133] : memref<2x16x160x128xi32, #tpu.memory_space<hbm>> -> memref<1x1x16x128xi32, #tpu.memory_space<hbm>>
          %dma_start3A_135 = tpu.memref_squeeze %dma_start3A_134 : memref<1x1x16x128xi32, #tpu.memory_space<hbm>> -> memref<16x128xi32, #tpu.memory_space<hbm>>
          %dma_start3A_136 = arith.constant 0 : i32
          %dma_start3A_137 = tpu.memref_slice %arg3[%arg0, %arg1, %multiple_of3A, %dma_start3A_136] : memref<2x16x160x128xi32, #tpu.memory_space<hbm>> -> memref<1x1x16x128xi32, #tpu.memory_space<hbm>>
          %dma_start3A_138 = tpu.memref_squeeze %dma_start3A_137 : memref<1x1x16x128xi32, #tpu.memory_space<hbm>> -> memref<16x128xi32, #tpu.memory_space<hbm>>
          tpu.enqueue_dma source(%dma_start3A_138 : memref<16x128xi32, #tpu.memory_space<hbm>>) target(%arg8 : memref<16x128xi32, #tpu.memory_space<vmem>>) target_semaphore(%run_scoped3A : memref<!tpu.dma_semaphore, #tpu.memory_space<semaphore_mem>>)
          %dma_wait3A_139 = arith.constant 0 : i32
          %dma_wait3A_140 = tpu.memref_slice %arg3[%arg0, %arg1, %multiple_of3A, %dma_wait3A_139] : memref<2x16x160x128xi32, #tpu.memory_space<hbm>> -> memref<1x1x16x128xi32, #tpu.memory_space<hbm>>
          %dma_wait3A_141 = tpu.memref_squeeze %dma_wait3A_140 : memref<1x1x16x128xi32, #tpu.memory_space<hbm>> -> memref<16x128xi32, #tpu.memory_space<hbm>>
          %dma_wait3A_142 = arith.constant 0 : i32
          %dma_wait3A_143 = tpu.memref_slice %arg3[%arg0, %arg1, %multiple_of3A, %dma_wait3A_142] : memref<2x16x160x128xi32, #tpu.memory_space<hbm>> -> memref<1x1x16x128xi32, #tpu.memory_space<hbm>>
          %dma_wait3A_144 = tpu.memref_squeeze %dma_wait3A_143 : memref<1x1x16x128xi32, #tpu.memory_space<hbm>> -> memref<16x128xi32, #tpu.memory_space<hbm>>
          tpu.wait_dma2 semaphore(%run_scoped3A : memref<!tpu.dma_semaphore, #tpu.memory_space<semaphore_mem>>) src(%dma_wait3A_144 : memref<16x128xi32, #tpu.memory_space<hbm>>) dst(%arg8 : memref<16x128xi32, #tpu.memory_space<vmem>>)
          tpu.yield
        }) : () -> ()
      } else {
      }
      %eq3A_121 = arith.constant 0 : i32
      %eq3A_122 = arith.cmpi eq, %select_n3A_68, %eq3A_121 : i32
      %convert_element_type3A_123 = arith.extui %eq3A_122 : i1 to i32
      %cond3A_124 = arith.constant 0 : i32
      %cond3A_125 = arith.cmpi ne, %convert_element_type3A_123, %cond3A_124 : i32
      scf.if %cond3A_125 {
        %add3A_131 = arith.constant 1 : i32
        %add3A_132 = arith.addi %scan3A_59, %add3A_131 : i32
        %jit3A_133 = arith.constant 16 : i32
        %eq3A_134 = arith.constant 0 : i32
        %eq3A_135 = arith.cmpi eq, %jit3A_133, %eq3A_134 : i32
        %jit3A_136 = arith.constant 1 : i32
        %select_n3A_137 = arith.select %eq3A_135, %jit3A_136, %jit3A_133 : i32
        %rem3A_138 = arith.remsi %add3A_132, %select_n3A_137 : i32
        %ne3A_139 = arith.constant 0 : i32
        %ne3A_140 = arith.cmpi ne, %rem3A_138, %ne3A_139 : i32
        %lt3A_141 = arith.constant 0 : i32
        %lt3A_142 = arith.cmpi slt, %rem3A_138, %lt3A_141 : i32
        %lt3A_143 = arith.constant 0 : i32
        %lt3A_144 = arith.cmpi slt, %select_n3A_137, %lt3A_143 : i32
        %ne3A_145 = arith.xori %lt3A_142, %lt3A_144 : i1
        %and3A_146 = arith.andi %ne3A_145, %ne3A_140 : i1
        %add3A_147 = arith.addi %rem3A_138, %select_n3A_137 : i32
        %select_n3A_148 = arith.select %and3A_146, %add3A_147, %rem3A_138 : i32
        %dma_start3A_149 = arith.constant 0 : i32
        %dma_start3A_150 = tpu.memref_slice %arg8[%select_n3A_148, %dma_start3A_149] : memref<16x128xi32, #tpu.memory_space<vmem>> -> memref<1x128xi32, #tpu.memory_space<vmem>>
        %dma_start3A_151 = tpu.memref_squeeze %dma_start3A_150 : memref<1x128xi32, #tpu.memory_space<vmem>> -> memref<128xi32, #tpu.memory_space<vmem>>
        %dma_start3A_152 = arith.constant 0 : i32
        %dma_start3A_153 = arith.constant 0 : i32
        %dma_start3A_154 = tpu.memref_slice %arg2[%dma_start3A_152, %dma_start3A_153] : memref<20480x128xf32, #tpu.memory_space<hbm>> -> memref<20480x128xf32, #tpu.memory_space<hbm>>
        tpu.enqueue_indirect_dma source(%dma_start3A_154 : memref<20480x128xf32, #tpu.memory_space<hbm>>) target(%arg11 : memref<128x128xf32, #tpu.memory_space<vmem>>) offsets(%dma_start3A_151 : memref<128xi32, #tpu.memory_space<vmem>>) semaphore(%arg12 : memref<!tpu.dma_semaphore, #tpu.memory_space<semaphore_mem>>)
        %jit3A_155 = arith.constant 16 : i32
        %eq3A_156 = arith.constant 0 : i32
        %eq3A_157 = arith.cmpi eq, %jit3A_155, %eq3A_156 : i32
        %jit3A_158 = arith.constant 1 : i32
        %select_n3A_159 = arith.select %eq3A_157, %jit3A_158, %jit3A_155 : i32
        %rem3A_160 = arith.remsi %scan3A_59, %select_n3A_159 : i32
        %ne3A_161 = arith.constant 0 : i32
        %ne3A_162 = arith.cmpi ne, %rem3A_160, %ne3A_161 : i32
        %lt3A_163 = arith.constant 0 : i32
        %lt3A_164 = arith.cmpi slt, %rem3A_160, %lt3A_163 : i32
        %lt3A_165 = arith.constant 0 : i32
        %lt3A_166 = arith.cmpi slt, %select_n3A_159, %lt3A_165 : i32
        %ne3A_167 = arith.xori %lt3A_164, %lt3A_166 : i1
        %and3A_168 = arith.andi %ne3A_167, %ne3A_162 : i1
        %add3A_169 = arith.addi %rem3A_160, %select_n3A_159 : i32
        %select_n3A_170 = arith.select %and3A_168, %add3A_169, %rem3A_160 : i32
        %dma_start3A_171 = arith.constant 0 : i32
        %dma_start3A_172 = tpu.memref_slice %arg9[%select_n3A_170, %dma_start3A_171] : memref<16x128xi32, #tpu.memory_space<vmem>> -> memref<1x128xi32, #tpu.memory_space<vmem>>
        %dma_start3A_173 = tpu.memref_squeeze %dma_start3A_172 : memref<1x128xi32, #tpu.memory_space<vmem>> -> memref<128xi32, #tpu.memory_space<vmem>>
        %dma_start3A_174 = arith.constant 0 : i32
        %dma_start3A_175 = arith.constant 0 : i32
        %dma_start3A_176 = tpu.memref_slice %arg7[%dma_start3A_174, %dma_start3A_175] : memref<10240x128xf32, #tpu.memory_space<vmem_shared>> -> memref<10240x128xf32, #tpu.memory_space<vmem_shared>>
        tpu.enqueue_indirect_dma source(%arg10 : memref<128x128xf32, #tpu.memory_space<vmem>>) target(%dma_start3A_176 : memref<10240x128xf32, #tpu.memory_space<vmem_shared>>) offsets(%dma_start3A_173 : memref<128xi32, #tpu.memory_space<vmem>>) semaphore(%arg13 : memref<!tpu.dma_semaphore, #tpu.memory_space<semaphore_mem>>) {add = true}
      } else {
      }
      %eq3A_126 = arith.constant 1 : i32
      %eq3A_127 = arith.cmpi eq, %select_n3A_68, %eq3A_126 : i32
      %convert_element_type3A_128 = arith.extui %eq3A_127 : i1 to i32
      %cond3A_129 = arith.constant 0 : i32
      %cond3A_130 = arith.cmpi ne, %convert_element_type3A_128, %cond3A_129 : i32
      scf.if %cond3A_130 {
        %add3A_131 = arith.constant 1 : i32
        %add3A_132 = arith.addi %scan3A_59, %add3A_131 : i32
        %jit3A_133 = arith.constant 16 : i32
        %eq3A_134 = arith.constant 0 : i32
        %eq3A_135 = arith.cmpi eq, %jit3A_133, %eq3A_134 : i32
        %jit3A_136 = arith.constant 1 : i32
        %select_n3A_137 = arith.select %eq3A_135, %jit3A_136, %jit3A_133 : i32
        %rem3A_138 = arith.remsi %add3A_132, %select_n3A_137 : i32
        %ne3A_139 = arith.constant 0 : i32
        %ne3A_140 = arith.cmpi ne, %rem3A_138, %ne3A_139 : i32
        %lt3A_141 = arith.constant 0 : i32
        %lt3A_142 = arith.cmpi slt, %rem3A_138, %lt3A_141 : i32
        %lt3A_143 = arith.constant 0 : i32
        %lt3A_144 = arith.cmpi slt, %select_n3A_137, %lt3A_143 : i32
        %ne3A_145 = arith.xori %lt3A_142, %lt3A_144 : i1
        %and3A_146 = arith.andi %ne3A_145, %ne3A_140 : i1
        %add3A_147 = arith.addi %rem3A_138, %select_n3A_137 : i32
        %select_n3A_148 = arith.select %and3A_146, %add3A_147, %rem3A_138 : i32
        %dma_start3A_149 = arith.constant 0 : i32
        %dma_start3A_150 = tpu.memref_slice %arg8[%select_n3A_148, %dma_start3A_149] : memref<16x128xi32, #tpu.memory_space<vmem>> -> memref<1x128xi32, #tpu.memory_space<vmem>>
        %dma_start3A_151 = tpu.memref_squeeze %dma_start3A_150 : memref<1x128xi32, #tpu.memory_space<vmem>> -> memref<128xi32, #tpu.memory_space<vmem>>
        %dma_start3A_152 = arith.constant 0 : i32
        %dma_start3A_153 = arith.constant 0 : i32
        %dma_start3A_154 = tpu.memref_slice %arg2[%dma_start3A_152, %dma_start3A_153] : memref<20480x128xf32, #tpu.memory_space<hbm>> -> memref<20480x128xf32, #tpu.memory_space<hbm>>
        tpu.enqueue_indirect_dma source(%dma_start3A_154 : memref<20480x128xf32, #tpu.memory_space<hbm>>) target(%arg10 : memref<128x128xf32, #tpu.memory_space<vmem>>) offsets(%dma_start3A_151 : memref<128xi32, #tpu.memory_space<vmem>>) semaphore(%arg12 : memref<!tpu.dma_semaphore, #tpu.memory_space<semaphore_mem>>)
        %jit3A_155 = arith.constant 16 : i32
        %eq3A_156 = arith.constant 0 : i32
        %eq3A_157 = arith.cmpi eq, %jit3A_155, %eq3A_156 : i32
        %jit3A_158 = arith.constant 1 : i32
        %select_n3A_159 = arith.select %eq3A_157, %jit3A_158, %jit3A_155 : i32
        %rem3A_160 = arith.remsi %scan3A_59, %select_n3A_159 : i32
        %ne3A_161 = arith.constant 0 : i32
        %ne3A_162 = arith.cmpi ne, %rem3A_160, %ne3A_161 : i32
        %lt3A_163 = arith.constant 0 : i32
        %lt3A_164 = arith.cmpi slt, %rem3A_160, %lt3A_163 : i32
        %lt3A_165 = arith.constant 0 : i32
        %lt3A_166 = arith.cmpi slt, %select_n3A_159, %lt3A_165 : i32
        %ne3A_167 = arith.xori %lt3A_164, %lt3A_166 : i1
        %and3A_168 = arith.andi %ne3A_167, %ne3A_162 : i1
        %add3A_169 = arith.addi %rem3A_160, %select_n3A_159 : i32
        %select_n3A_170 = arith.select %and3A_168, %add3A_169, %rem3A_160 : i32
        %dma_start3A_171 = arith.constant 0 : i32
        %dma_start3A_172 = tpu.memref_slice %arg9[%select_n3A_170, %dma_start3A_171] : memref<16x128xi32, #tpu.memory_space<vmem>> -> memref<1x128xi32, #tpu.memory_space<vmem>>
        %dma_start3A_173 = tpu.memref_squeeze %dma_start3A_172 : memref<1x128xi32, #tpu.memory_space<vmem>> -> memref<128xi32, #tpu.memory_space<vmem>>
        %dma_start3A_174 = arith.constant 0 : i32
        %dma_start3A_175 = arith.constant 0 : i32
        %dma_start3A_176 = tpu.memref_slice %arg7[%dma_start3A_174, %dma_start3A_175] : memref<10240x128xf32, #tpu.memory_space<vmem_shared>> -> memref<10240x128xf32, #tpu.memory_space<vmem_shared>>
        tpu.enqueue_indirect_dma source(%arg11 : memref<128x128xf32, #tpu.memory_space<vmem>>) target(%dma_start3A_176 : memref<10240x128xf32, #tpu.memory_space<vmem_shared>>) offsets(%dma_start3A_173 : memref<128xi32, #tpu.memory_space<vmem>>) semaphore(%arg13 : memref<!tpu.dma_semaphore, #tpu.memory_space<semaphore_mem>>) {add = true}
      } else {
      }
    }
    %scan3A_30 = arith.constant 158 : i32
    %dma_wait3A_31 = arith.constant 0 : i32
    %dma_wait3A_32 = arith.constant 0 : i32
    %dma_wait3A_33 = tpu.memref_slice %arg2[%dma_wait3A_31, %dma_wait3A_32] : memref<20480x128xf32, #tpu.memory_space<hbm>> -> memref<128x128xf32, #tpu.memory_space<hbm>>
    %dma_wait3A_34 = arith.constant 0 : i32
    %dma_wait3A_35 = arith.constant 0 : i32
    %dma_wait3A_36 = tpu.memref_slice %arg2[%dma_wait3A_34, %dma_wait3A_35] : memref<20480x128xf32, #tpu.memory_space<hbm>> -> memref<128x128xf32, #tpu.memory_space<hbm>>
    tpu.wait_dma2 semaphore(%arg12 : memref<!tpu.dma_semaphore, #tpu.memory_space<semaphore_mem>>) src(%dma_wait3A_36 : memref<128x128xf32, #tpu.memory_space<hbm>>) dst(%arg10 : memref<128x128xf32, #tpu.memory_space<vmem>>)
    %dma_wait3A_37 = arith.constant 0 : i32
    %dma_wait3A_38 = arith.constant 0 : i32
    %dma_wait3A_39 = tpu.memref_slice %arg7[%dma_wait3A_37, %dma_wait3A_38] : memref<10240x128xf32, #tpu.memory_space<vmem_shared>> -> memref<128x128xf32, #tpu.memory_space<vmem_shared>>
    %dma_wait3A_40 = arith.constant 0 : i32
    %dma_wait3A_41 = arith.constant 0 : i32
    %dma_wait3A_42 = tpu.memref_slice %arg7[%dma_wait3A_40, %dma_wait3A_41] : memref<10240x128xf32, #tpu.memory_space<vmem_shared>> -> memref<128x128xf32, #tpu.memory_space<vmem_shared>>
    tpu.wait_dma2 semaphore(%arg13 : memref<!tpu.dma_semaphore, #tpu.memory_space<semaphore_mem>>) src(%arg10 : memref<128x128xf32, #tpu.memory_space<vmem>>) dst(%dma_wait3A_42 : memref<128x128xf32, #tpu.memory_space<vmem_shared>>)
    %dma_start3A_43 = arith.constant 15 : i32
    %dma_start3A_44 = arith.constant 0 : i32
    %dma_start3A_45 = tpu.memref_slice %arg9[%dma_start3A_43, %dma_start3A_44] : memref<16x128xi32, #tpu.memory_space<vmem>> -> memref<1x128xi32, #tpu.memory_space<vmem>>
    %dma_start3A_46 = tpu.memref_squeeze %dma_start3A_45 : memref<1x128xi32, #tpu.memory_space<vmem>> -> memref<128xi32, #tpu.memory_space<vmem>>
    %dma_start3A_47 = arith.constant 0 : i32
    %dma_start3A_48 = arith.constant 0 : i32
    %dma_start3A_49 = tpu.memref_slice %arg7[%dma_start3A_47, %dma_start3A_48] : memref<10240x128xf32, #tpu.memory_space<vmem_shared>> -> memref<10240x128xf32, #tpu.memory_space<vmem_shared>>
    tpu.enqueue_indirect_dma source(%arg11 : memref<128x128xf32, #tpu.memory_space<vmem>>) target(%dma_start3A_49 : memref<10240x128xf32, #tpu.memory_space<vmem_shared>>) offsets(%dma_start3A_46 : memref<128xi32, #tpu.memory_space<vmem>>) semaphore(%arg13 : memref<!tpu.dma_semaphore, #tpu.memory_space<semaphore_mem>>) {add = true}
    %dma_wait3A_50 = arith.constant 0 : i32
    %dma_wait3A_51 = arith.constant 0 : i32
    %dma_wait3A_52 = tpu.memref_slice %arg7[%dma_wait3A_50, %dma_wait3A_51] : memref<10240x128xf32, #tpu.memory_space<vmem_shared>> -> memref<128x128xf32, #tpu.memory_space<vmem_shared>>
    %dma_wait3A_53 = arith.constant 0 : i32
    %dma_wait3A_54 = arith.constant 0 : i32
    %dma_wait3A_55 = tpu.memref_slice %arg7[%dma_wait3A_53, %dma_wait3A_54] : memref<10240x128xf32, #tpu.memory_space<vmem_shared>> -> memref<128x128xf32, #tpu.memory_space<vmem_shared>>
    tpu.wait_dma2 semaphore(%arg13 : memref<!tpu.dma_semaphore, #tpu.memory_space<semaphore_mem>>) src(%arg10 : memref<128x128xf32, #tpu.memory_space<vmem>>) dst(%dma_wait3A_55 : memref<128x128xf32, #tpu.memory_space<vmem_shared>>)
    %barrier3A_56 = arith.constant 0 : index
    tpu.barrier barrier_id(%barrier3A_56)
    %mul3A_57 = arith.constant 10240 : i32
    %mul3A_58 = arith.muli %arg0, %mul3A_57 : i32
    %add3A = arith.addi %mul3A_58, %mul3A_0 : i32
    "tpu.region"() ({
      %run_scoped3A = tpu.sem_alloc : memref<!tpu.dma_semaphore, #tpu.memory_space<semaphore_mem>>
      %dma_start3A_59 = arith.constant 0 : i32
      %dma_start3A_60 = tpu.memref_slice %arg6[%add3A, %dma_start3A_59] : memref<20480x128xf32, #tpu.memory_space<hbm>> -> memref<640x128xf32, #tpu.memory_space<hbm>>
      %dma_start3A_61 = arith.constant 0 : i32
      %dma_start3A_62 = tpu.memref_slice %arg7[%mul3A_0, %dma_start3A_61] : memref<10240x128xf32, #tpu.memory_space<vmem_shared>> -> memref<640x128xf32, #tpu.memory_space<vmem_shared>>
      tpu.enqueue_dma source(%dma_start3A_62 : memref<640x128xf32, #tpu.memory_space<vmem_shared>>) target(%dma_start3A_60 : memref<640x128xf32, #tpu.memory_space<hbm>>) target_semaphore(%run_scoped3A : memref<!tpu.dma_semaphore, #tpu.memory_space<semaphore_mem>>)
      %dma_wait3A_63 = arith.constant 0 : i32
      %dma_wait3A_64 = tpu.memref_slice %arg6[%add3A, %dma_wait3A_63] : memref<20480x128xf32, #tpu.memory_space<hbm>> -> memref<640x128xf32, #tpu.memory_space<hbm>>
      %dma_wait3A_65 = arith.constant 0 : i32
      %dma_wait3A_66 = tpu.memref_slice %arg7[%mul3A_0, %dma_wait3A_65] : memref<10240x128xf32, #tpu.memory_space<vmem_shared>> -> memref<640x128xf32, #tpu.memory_space<vmem_shared>>
      tpu.wait_dma2 semaphore(%run_scoped3A : memref<!tpu.dma_semaphore, #tpu.memory_space<semaphore_mem>>) src(%dma_wait3A_66 : memref<640x128xf32, #tpu.memory_space<vmem_shared>>) dst(%dma_wait3A_64 : memref<640x128xf32, #tpu.memory_space<hbm>>)
      tpu.yield
    }) : () -> ()
    return
  }
}

</mosaic_0001>

<sc_bundles>
// kernel: _sc_agg.3.cloned.1.call-start
scs
__scs_entry_jumppad:
0x0: {  	(pc) =	sbr.rel $0x88, $3  }
0x1: {  	(tag) =	ssettag $0x0;
	lr =	simm.s32 $0x1  }
0x2: {  	[smem:$0x3F9D] =	sst lr;
	_ =	strace $0xD0000000  }
0x3: {  	_ = 	snop  }
0x4: {  	_ = 	snop  }
0x5: {  	_ = 	snop  }
0x6: {  	_ = 	snop  }
0x7: {  	_ = 	snop  }
__scs_overlays_trampoline_lowered:
0x8: {  	[smem:$0x3FAC] =	sst s0  }
0x9: {  	[smem:$0x3FAD] =	sst s1  }
0xa: {  	[smem:$0x3FAE] =	sst s2  }
0xb: {  	[smem:$0x3FAF] =	sst s3  }
0xc: {  	[smem:$0x3FB0] =	sst s4  }
0xd: {  	[smem:$0x3FB1] =	sst s5  }
0xe: {  	[smem:$0x3FB2] =	sst s6  }
0xf: {  	[smem:$0x3FB3] =	sst s7  }
0x10: {  	[smem:$0x3FB4] =	sst s8  }
0x11: {  	[smem:$0x3FB5] =	sst s9;
	s0 =	simm.s32 @!p0 $0x0  }
0x12: {  	s1 =	sld [smem:$0x3F9B];
	s0 =	simm.s32 @p0 $0x1  }
0x13: {  	[smem:$0x3FB6] =	sst s0;
	s0 =	simm.s32 @!p1 $0x0  }
0x14: {  	s2 =	sld [smem:$0x3F9A];
	s0 =	simm.s32 @p1 $0x1  }
0x15: {  	[smem:$0x3FB7] =	sst s0;
	s0 =	simm.s32 @!p2 $0x0  }
0x16: {  	s3 =	sld [smem:$0x3FDB];
	s0 =	simm.s32 @p2 $0x1  }
0x17: {  	s4 =	simm.s32 $0x1BF5;
	[smem:$0x3FB9] =	sst s0  }
0x18: {  	s0 =	sld [smem:$0x3F9C];
	_ =	swait.ge [sflag:s4], $0x0  }
0x19: {  	s7 =	sld [smem:$0x3F9D]  }
0x1a: {  	s8 =	sadd.s32 $0xFFFFE003, lr  }
0x1b: {  	s9 =	sadd.s32 $0xFFFFFEF7, lr;
	s5 =	simm.s32 $0xFFFFFFFF;
	p2 =	slt.u32 s8, $0xFFFFF086  }
0x1c: {  	p1 =	slt.u32 s9, $0xF7A;
	s5 =	simm.s32 @!p2 $0x0  }
0x1d: {  	s5 =	simm.s32 @p1 $0x1;
	p0 =	seq.s32 s7, s2  }
0x1e: {  	s7 =	smul.u32 @!p0 $0xF7A, s2;
	p2 =	seq.s32 @!p0 s5, $0x0  }
0x1f: {  	s9 =	smul.u32 $0xF7A, s1;
	s8 =	simm.s32 @!p0 $0x1BF5;
	p2 =	por !p2, p0  }
0x20: {  	[sflag:s8] =	ssyncset.s32 @!p0 $0xFFFFF086;
	s6 =	sadd.s32 @!p0 s3, s7;
	s7 =	simm.s32 @!p0 $0x108  }
0x21: {  	s3 =	sadd.s32 s3, s9;
	s6 =	sadd.s32 @!p0 $0x88, s6;
	s7 =	simm.s32 @p2 $0x1082  }
0x22: {  	[simem:s7], [sflag:s8] =	dma.local @!p0 [hbm:s6], $0xF7A  }
0x23: {  	s9 =	sor.u32 $0xD0000000, s2;
	s6 =	simm.s32 $0x108;
	_ =	swait.ge @!p0 [sflag:s8], $0x0  }
0x24: {  	s3 =	sadd.s32 $0x88, s3;
	s6 =	simm.s32 @!p1 $0x1082;
	[sflag:s4] =	ssyncset.s32 $0xFFFFF086  }
0x25: {  	[simem:s6], [sflag:s4] =	dma.local [hbm:s3], $0xF7A  }
0x26: {  	[smem:$0x3F9D] =	sst s1;
	(tag) =	ssettag s2;
	_ =	strace s9  }
0x27: {  	s1 =	sld [smem:$0x3FAD]  }
0x28: {  	s2 =	sld [smem:$0x3FAE]  }
0x29: {  	s4 =	sld [smem:$0x3FB0]  }
0x2a: {  	p0 =	seq.s32 s5, $0x0;
	s5 =	sld [smem:$0x3FB1]  }
0x2b: {  	s6 =	sld [smem:$0x3FB2]  }
0x2c: {  	s7 =	sld [smem:$0x3FB3]  }
0x2d: {  	s3 =	simm.s32 $0x108;
	s8 =	sld [smem:$0x3FB4]  }
0x2e: {  	s3 =	simm.s32 @!p0 $0x1082;
	s9 =	sld [smem:$0x3FB5]  }
0x2f: {  	lr =	sadd.s32 s0, s3;
	s0 =	sld [smem:$0x3FAC]  }
0x30: {  	s3 =	sld [smem:$0x3FAF]  }
0x31: {  	[smem:$0x3FB8] =	sst s10  }
0x32: {  	s10 =	sld [smem:$0x3FB6];
	_ =	sdelay $0x3  }
0x33: {  	p0 =	seq.s32 s10, $0x1;
	s10 =	sld [smem:$0x3FB8];
	_ =	sdelay $0x3  }
0x34: {  	[smem:$0x3FB8] =	sst s10  }
0x35: {  	s10 =	sld [smem:$0x3FB7];
	_ =	sdelay $0x3  }
0x36: {  	p1 =	seq.s32 s10, $0x1;
	s10 =	sld [smem:$0x3FB8];
	_ =	sdelay $0x3  }
0x37: {  	[smem:$0x3FB8] =	sst s10  }
0x38: {  	s10 =	sld [smem:$0x3FB9]  }
0x39: {  	_ = 	snop;
	(pc) =	sbr.ind lr, $3  }
0x3a: {  	_ = 	snop  }
0x3b: {  	_ = 	snop  }
0x3c: {  	p2 =	seq.s32 s10, $0x1;
	s10 =	sld [smem:$0x3FB8]  }
0x3d: {  	_ =	shalt  }
0x3e: {  	_ =	shalt  }
0x3f: {  	_ =	shalt  }
0x40: {  	_ =	shalt  }
0x41: {  	_ =	shalt  }
0x42: {  	_ =	shalt  }
0x43: {  	_ =	shalt  }
0x44: {  	_ =	shalt  }
0x45: {  	_ =	shalt  }
0x46: {  	_ =	shalt  }
0x47: {  	_ =	shalt  }
0x48: {  	_ =	shalt  }
0x49: {  	_ =	shalt  }
0x4a: {  	_ =	shalt  }
0x4b: {  	_ =	shalt  }
0x4c: {  	_ =	shalt  }
0x4d: {  	_ =	shalt  }
0x4e: {  	_ =	shalt  }
0x4f: {  	_ =	shalt  }
0x50: {  	_ =	shalt  }
0x51: {  	_ =	shalt  }
0x52: {  	_ =	shalt  }
0x53: {  	_ =	shalt  }
0x54: {  	_ =	shalt  }
0x55: {  	_ =	shalt  }
0x56: {  	_ =	shalt  }
0x57: {  	_ =	shalt  }
0x58: {  	_ =	shalt  }
0x59: {  	_ =	shalt  }
0x5a: {  	_ =	shalt  }
0x5b: {  	_ =	shalt  }
0x5c: {  	_ =	shalt  }
0x5d: {  	_ =	shalt  }
0x5e: {  	_ =	shalt  }
0x5f: {  	_ =	shalt  }
0x60: {  	_ =	shalt  }
0x61: {  	_ =	shalt  }
0x62: {  	_ =	shalt  }
0x63: {  	_ =	shalt  }
0x64: {  	_ =	shalt  }
0x65: {  	_ =	shalt  }
0x66: {  	_ =	shalt  }
0x67: {  	_ =	shalt  }
0x68: {  	_ =	shalt  }
0x69: {  	_ =	shalt  }
0x6a: {  	_ =	shalt  }
0x6b: {  	_ =	shalt  }
0x6c: {  	_ =	shalt  }
0x6d: {  	_ =	shalt  }
0x6e: {  	_ =	shalt  }
0x6f: {  	_ =	shalt  }
0x70: {  	_ =	shalt  }
0x71: {  	_ =	shalt  }
0x72: {  	_ =	shalt  }
0x73: {  	_ =	shalt  }
0x74: {  	_ =	shalt  }
0x75: {  	_ =	shalt  }
0x76: {  	_ =	shalt  }
0x77: {  	_ =	shalt  }
0x78: {  	_ =	shalt  }
0x79: {  	_ =	shalt  }
0x7a: {  	_ =	shalt  }
0x7b: {  	_ =	shalt  }
0x7c: {  	_ =	shalt  }
0x7d: {  	_ =	shalt  }
0x7e: {  	_ =	shalt  }
0x7f: {  	_ =	shalt  }
0x80: {  	_ =	shalt  }
0x81: {  	_ =	shalt  }
0x82: {  	_ =	shalt  }
0x83: {  	_ =	shalt  }
0x84: {  	_ =	shalt  }
0x85: {  	_ =	shalt  }
0x86: {  	_ =	shalt  }
0x87: {  	_ =	shalt  }
.Lfunc_end0:
.L_simem_size_0:
called_computation_lowered:
.L_overlay_start_0:
0x88: {  	s2 =	sld [smem:$0x3FD9]  }
0x89: {  	s3 =	sld [smem:$0x3FFE];
	_ =	sdelay $0x1  }
0x8a: {  	s1 =	srdreg.scid  }
0x8b: {  	s0 =	sand.u32 $0x1, s1  }
0x8c: {  	s18 =	sshll.u32 s0, $0xA;
	s2 =	sadd.s32 s3, s2  }
0x8d: {  	s2 =	sadd.s32 s2, s18  }
0x8e: {  	[smem:$0x3FC4] =	sst s2  }
0x8f: {  	_ = 	snop  }
0x90: {  	s2 =	sld [smem:$0x3FC9]  }
0x91: {  	s19 =	sld [smem:$0x3FC8]  }
0x92: {  	s4 =	sld [smem:$0x3FC7]  }
0x93: {  	s5 =	sld [smem:$0x3FC6]  }
0x94: {  	s6 =	sld [smem:$0x3FD0];
	(tm) =	ssettm $0x1  }
0x95: {  	s7 =	sld [smem:$0x3FFB];
	_ =	sdelay $0x3  }
0x96: {  	_ =	strace s7  }
0x97: {  	s7 =	sld [smem:$0x3FFC];
	_ =	sdelay $0x3  }
0x98: {  	_ =	strace s7  }
0x99: {  	s7 =	sld [smem:$0x3FFD];
	_ =	sdelay $0x3  }
0x9a: {  	_ =	strace s7  }
0x9b: {  	_ =	strace $0x8FFFFFFF  }
0x9c: {  	s20 =	sld [smem:$0x3FDB];
	_ =	sdelay $0x1  }
0x9d: {  	s8 =	simm.s32 $_scs_section_size  }
0x9e: {  	s9 =	simm.s32 $_size__tile_overlayer_lowered;
	s10 =	simm.s32 $_tile_overlayer_lowered  }
0x9f: {  	s23 =	simm.s32 $0x1BFF;
	s22 =	sshll.u32 s10, $0x1;
	s7 =	sadd.s32 s8, s20  }
0xa0: {  	s11 =	simm.s32 $0x0;
	s21 =	sshll.u32 s9, $0x1;
	s9 =	sadd.s32 s22, s7  }
0xa1: {  	[timem:s11], [sflag:s23] =	dma.local [hbm:s9], s21  }
0xa2: {  	_ =	swait.ge [sflag:s23], s21  }
0xa3: {  	s8 =	ssub.s32 $0x0, s21;
	[sflag:s23] =	ssyncset.done $0x0  }
0xa4: {  	[sflag:s23] =	ssyncadd.s32 s8;
	_ =	sdelay $0x1  }
0xa5: {  	s24 =	simm.s32 $0x1B8B  }
0xa6: {  	_ =	swait.ge [sflag:s24], $0x1  }
0xa7: {  	[sflag:s24] =	ssyncset.done $0x0  }
0xa8: {  	s25 =	simm.s32 $0x1B8E;
	[sflag:s24] =	ssyncadd.s32 $0xFFFFFFFF  }
0xa9: {  	s26 =	simm.s32 $execute0_lowered;
	[smem:$0x3FD2] =	sst s25  }
0xaa: {  	s8 =	sshll.u32 s26, $0x1;
	_ =	strace $0x80000046;
	[dreg:$0x1] =	wrdreg $0xFFFFFFFF  }
0xab: {  	s28 =	simm.s32 $_size_execute0_lowered;
	s7 =	sadd.s32 s7, s8;
	[dreg:$0x0] =	wrdreg $0x0  }
0xac: {  	s8 =	sshll.u32 s28, $0x1;
	[dreg:$0x2] =	wrdreg s7  }
0xad: {  	[dreg:$0x3] =	wrdreg s8  }
0xae: {  	[dreg:$0x4] =	wrdreg $0xC0  }
0xaf: {  	_ =	task [dreg:s11], $0x5FFFF  }
0xb0: {  	[dreg:$0x1] =	wrdreg $0xFFFFFFFF  }
0xb1: {  	[dreg:$0x0] =	wrdreg $0x60  }
0xb2: {  	[dreg:$0x2] =	wrdreg s2  }
0xb3: {  	[dreg:$0x3] =	wrdreg s19  }
0xb4: {  	[dreg:$0x4] =	wrdreg s4  }
0xb5: {  	[dreg:$0x5] =	wrdreg s5  }
0xb6: {  	[dreg:$0x6] =	wrdreg s6  }
0xb7: {  	[dreg:$0x7] =	wrdreg $0x0  }
0xb8: {  	[dreg:$0x8] =	wrdreg $0x9  }
0xb9: {  	_ =	task.clear_ibuf [dreg:s11], $0x9FFFF;
	_ =	strace $0x90000046  }
0xba: {  	s29 =	simm.s32 $0x9;
	_ =	strace $0x80000048  }
0xbb: {  	_ =	swait.ge [sflag:s29], $0x1  }
0xbc: {  	[sflag:s29] =	ssyncadd.s32 $0xFFFFFFFF  }
0xbd: {  	_ =	strace $0x90000048  }
0xbe: {  	_ =	sfence  }
0xbf: {  	s30 =	sld [smem:$0x0];
	_ =	sdelay $0x2  }
0xc0: {  	s31 =	sshll.u32 s1, $0xD;
	s1 =	sshrl.u32 s1, $0x2  }
0xc1: {  	s3 =	sand.u32 $0x4000, s31;
	s1 =	sadd.s32 s1, s30  }
0xc2: {  	s0 =	sor.u32 s3, s0;
	s1 =	sshll.u32 s1, $0x11  }
0xc3: {  	s0 =	sor.u32 s1, s0  }
0xc4: {  	s0 =	sadd.s32 $0x8F2B, s0  }
0xc5: {  	[sflag:s0] =	ssyncadd.remote.s32 $0x1  }
0xc6: {  	_ =	sfence.sel $0xFFFF  }
0xc7: {  	[dreg:$0x0] =	wrdreg $0xFFFFFFFF;
	(pc) =	sbr.abs _section_cstart, $3  }
0xc8: {  	[dreg:$0x1] =	wrdreg $0xFFFFFFFF  }
0xc9: {  	_ =	task.clear_ibuf [dreg:s11], $0x2FFFF;
	_ =	strace $0x9FFFFFFF  }
0xca: {  	(tm) =	ssettm $0x7FFFFFFF  }
0xcb: {  	_ =	shalt  }
tec
execute0_lowered:
.L_overlay_start_1:
0x0: {  	(tag) =	ssettag $0x1  }
0x1: {  	s0 =	rddreg [dreg:$0x0]  }
0x2: {  	s5 =	rddreg [dreg:$0x1]  }
0x3: {  	s3 =	rddreg [dreg:$0x2]  }
0x4: {  	s1 =	rddreg [dreg:$0x4]  }
0x5: {  	s6 =	rddreg [dreg:$0x5]  }
0x6: {  	s2 =	srdreg.scid;
	s14 =	stileid.u32  }
0x7: {  	s7 =	simm.s32 $0x0;
	s15 =	simm.s32 $0x3;
	s16 =	simm.s32 $0x14000  }
0x8: {  	s17 =	simm.s32 $0x14800;
	s18 =	simm.s32 $0x80;
	s19 =	simm.s32 $0x15000  }
0x9: {  	s20 =	simm.s32 $0x14080;
	s21 =	simm.s32 $0x19000;
	s4 =	smul.u32 $0x50000, s14  }
0xa: {  	s22 =	simm.s32 $0x1;
	s23 =	simm.s32 $0x2;
	s11 =	smul.u32 $0x5000, s14  }
0xb: {  	s24 =	simm.s32 $0x14F80;
	s2 =	sand.u32 $0x1, s2;
	s12 =	smul.u32 $0x2800, s14  }
0xc: {  	s25 =	simm.s32 $0x0;
	[smem:$0x7FF] =	sst s7;
	s9 =	smul.u32 $0x50000, s2  }
0xd: {  	s31 =	sshll.u32 s14, $0x6;
	s8 =	ssub.s32 $0x2, s2;
	s2 =	smul.u32 $0x28000, s2  }
.Ltmp0:
0xe: {  	_ =	strace $0x80000047;
	s10 =	sshrl.u32 s8, $0x1;
	(pc) =	sbr.rel .LBB2_1-.Ltmp0, $4  }
0xf: {  	s4 =	sshrl.u32 s4, $0x2;
	s13 =	ssub.s32 s8, s10;
	s8 =	sadd.s32 s11, s9  }
0x10: {  	s4 =	sadd.s32 s4, s6;
	s9 =	sor.u32 $0x1C03, s31;
	s2 =	sadd.s32 s12, s2  }
0x11: {  	s11 =	sshrl.u32 s8, $0x3;
	s12 =	sadd.s32 s1, s2;
	s13 =	smax.u32 s13, $0x1  }
0x12: {  	s14 =	sshrl.u32 s4, $0x3;
	s10 =	sadd.s32 s5, s11;
	s11 =	sadd.s32 s3, s11  }
.LBB2_8:
0x13: {  	_ =	swait.ge [sflag:s22], $0x4000  }
0x14: {  	[sflag:s22] =	ssyncset.done $0x0  }
0x15: {  	[sflag:s22] =	ssyncadd.s32 $0xFFFFC000  }
0x16: {  	_ =	swait.ge [sflag:s23], $0x4000  }
0x17: {  	[sflag:s23] =	ssyncset.done $0x0  }
0x18: {  	[sflag:s23] =	ssyncadd.s32 $0xFFFFC000  }
0x19: {  	[spmem:s6] =	stream.indirect.scatter.add.f32 [tilespmem:s21], [sflag:$0x2], $0x80, s24, s18, $0xb8;
	[tilespmem:$0x1D000] =	vst v63  }
0x1a: {  	_ =	swait.ge [sflag:s23], $0x4000  }
0x1b: {  	s25 =	sadd.s32 $0x1, s25;
	[sflag:s23] =	ssyncset.done $0x0  }
0x1c: {  	p0 =	sne.s32 s25, s13;
	[sflag:s23] =	ssyncadd.s32 $0xFFFFC000  }
.Ltmp1:
0x1d: {  	[bflag:$0x0] =	sbarrier.arrive $0xFFFF;
	(pc) =	sbr.rel @!p0 .LBB2_9-.Ltmp1, $4  }
0x1e: {  	[hbm:s12], [sflag:s9] =	dma.local [spmem:s14], $0x2800  }
0x1f: {  	_ =	swait.ge [sflag:s15], $0x2800  }
0x20: {  	[sflag:s15] =	ssyncset.done $0x0  }
0x21: {  	[sflag:s15] =	ssyncadd.s32 $0xFFFFD800  }
.LBB2_1:
0x22: {  	s1 =	rddreg [dreg:$0x3]  }
0x23: {  	[spmem:s14], [sflag:s9] =	dma.local [hbm:s1], $0x2800  }
0x24: {  	_ =	swait.ge [sflag:s15], $0x2800  }
0x25: {  	[sflag:s15] =	ssyncset.done $0x0  }
0x26: {  	[sflag:s15] =	ssyncadd.s32 $0xFFFFD800  }
0x27: {  	[bflag:$0x0] =	sbarrier.arrive $0xFFFF  }
0x28: {  	[tilespmem:s16], [sflag:$0x3] =	stream.linear.gather [hbm4b:s10+s7], $0x800, $0x38;
	[tilespmem:$0x1D000] =	vst v63  }
0x29: {  	_ =	swait.ge [sflag:s15], $0x800  }
0x2a: {  	[sflag:s15] =	ssyncset.done $0x0  }
0x2b: {  	[sflag:s15] =	ssyncadd.s32 $0xFFFFF800  }
0x2c: {  	[tilespmem:s17], [sflag:$0x3] =	stream.linear.gather [hbm4b:s11+s7], $0x800, $0x38;
	[tilespmem:$0x1D000] =	vst v63  }
0x2d: {  	_ =	swait.ge [sflag:s15], $0x800  }
0x2e: {  	[sflag:s15] =	ssyncset.done $0x0  }
0x2f: {  	[sflag:s15] =	ssyncadd.s32 $0xFFFFF800  }
0x30: {  	[tilespmem:s19], [sflag:$0x1] =	stream.indirect.gather [hbm4b:s0+s18], $0x80, s16, s18, $0xb8;
	[tilespmem:$0x1D000] =	vst v63  }
0x31: {  	_ =	swait.ge [sflag:s22], $0x4000  }
.Ltmp2:
0x32: {  	[sflag:s22] =	ssyncset.done $0x0;
	(pc) =	sbr.rel .LBB2_2-.Ltmp2, $4  }
0x33: {  	[sflag:s22] =	ssyncadd.s32 $0xFFFFC000  }
0x34: {  	[tilespmem:s21], [sflag:$0x1] =	stream.indirect.gather [hbm4b:s0+s18], $0x80, s20, s18, $0xb8;
	[tilespmem:$0x1D000] =	vst v63  }
0x35: {  	s26 =	simm.s32 $0x100;
	s28 =	simm.s32 $0x2;
	s29 =	simm.s32 $0x1  }
0x36: {  	[spmem:s6] =	stream.indirect.scatter.add.f32 [tilespmem:s19], [sflag:$0x2], $0x80, s17, s18, $0xb8;
	[tilespmem:$0x1D000] =	vst v63  }
.LBB2_3:
0x37: {  	s2 =	simm.s32 $0x14800;
	s4 =	smov.u32 s31;
	s1 =	smov.u32 s3  }
.LBB2_6:
0x38: {  	s4 =	sshll.u32 s4, $0x7  }
0x39: {  	s4 =	sadd.s32 s8, s4  }
0x3a: {  	s4 =	sshrl.u32 s4, $0x3  }
0x3b: {  	s1 =	sadd.s32 s1, s4  }
0x3c: {  	[tilespmem:s2], [sflag:$0x3] =	stream.linear.gather [hbm4b:s1+s7], $0x800, $0x38;
	[tilespmem:$0x1D000] =	vst v63  }
0x3d: {  	_ =	swait.ge [sflag:s15], $0x800  }
0x3e: {  	[sflag:s15] =	ssyncset.done $0x0  }
0x3f: {  	[sflag:s15] =	ssyncadd.s32 $0xFFFFF800  }
.LBB2_7:
0x40: {  	s1 =	sand.u32 $0x1, s31  }
0x41: {  	p0 =	seq.s32 s1, $0x1  }
0x42: {  	s1 =	sadd.s32 $0xFFFFFF80, s26;
	s2 =	sand.u32 @p0 $0x700, s26;
	s4 =	simm.s32 @p0 $0x80  }
0x43: {  	s31 =	simm.s32 @p0 $0x15000;
	s1 =	sand.u32 @!p0 $0x700, s1;
	s2 =	sor.u32 @p0 $0x14000, s2  }
0x44: {  	[tilespmem:s31], [sflag:$0x1] =	stream.indirect.gather @p0 [hbm4b:s0+s4], $0x80, s2, s4, $0xb8;
	[tilespmem:$0x1D000] =	vst v63  }
0x45: {  	s1 =	sor.u32 @!p0 $0x14080, s1;
	s2 =	simm.s32 @!p0 $0x80;
	s4 =	simm.s32 @!p0 $0x19000  }
0x46: {  	[tilespmem:s4], [sflag:$0x1] =	stream.indirect.gather @!p0 [hbm4b:s0+s2], $0x80, s1, s2, $0xb8;
	[tilespmem:$0x1D000] =	vst v63  }
0x47: {  	s28 =	sadd.s32 $0x1, s28;
	s1 =	simm.s32 @!p0 $0x15000  }
0x48: {  	s1 =	simm.s32 @p0 $0x19000;
	p0 =	sne.s32 s28, $0xA0  }
.Ltmp3:
0x49: {  	_ = 	snop;
	(pc) =	sbr.rel @!p0 .LBB2_8-.Ltmp3, $4  }
0x4a: {  	_ = 	snop  }
0x4b: {  	s31 =	sshll.u32 s30, $0x7  }
0x4c: {  	s29 =	sadd.s32 $0x1, s29;
	s26 =	sadd.s32 $0x80, s26;
	s2 =	sor.u32 $0x14800, s31  }
0x4d: {  	[spmem:s6] =	stream.indirect.scatter.add.f32 [tilespmem:s1], [sflag:$0x2], $0x80, s2, s18, $0xb8;
	[tilespmem:$0x1D000] =	vst v63  }
.LBB2_2:
0x4e: {  	s31 =	sadd.s32 $0xFFFFFFFF, s28  }
0x4f: {  	s30 =	sand.u32 $0xF, s31  }
0x50: {  	_ =	swait.ge [sflag:s22], $0x4000;
	p0 =	seq.s32 s30, $0x0  }
.Ltmp4:
0x51: {  	[sflag:s22] =	ssyncset.done $0x0;
	(pc) =	sbr.rel @p0 .LBB2_3-.Ltmp4, $4  }
0x52: {  	[sflag:s22] =	ssyncadd.s32 $0xFFFFC000  }
0x53: {  	_ =	swait.ge [sflag:s23], $0x4000  }
0x54: {  	[sflag:s23] =	ssyncset.done $0x0  }
0x55: {  	[sflag:s23] =	ssyncadd.s32 $0xFFFFC000  }
0x56: {  	p0 =	sne.s32 s30, $0xF  }
.Ltmp5:
0x57: {  	_ = 	snop;
	(pc) =	sbr.rel @p0 .LBB2_7-.Ltmp5, $1  }
0x58: {  	_ =	sdelay $0x3  }
.Ltmp6:
0x59: {  	(pc) =	sbr.rel .LBB2_6-.Ltmp6, $2  }
0x5a: {  	_ =	sdelay $0x2  }
0x5b: {  	s4 =	sadd.s32 $0x1, s29;
	s2 =	simm.s32 $0x14000;
	s1 =	smov.u32 s5  }
.LBB2_9:
0x5c: {  	_ =	sfence.sel $0x180000  }
0x5d: {  	[bflag:$0x0] =	sbarrier.arrive $0xFFFF  }
0x5e: {  	_ =	strace $0x90000047  }
0x5f: {  	s0 =	stileid.u32;
	[bflag:$0x2] =	sbarrier.arrive $0xFFFF  }
0x60: {  	p0 =	sne.s32 s0, $0x0;
	s0 =	rddreg [dreg:$0x6]  }
0x61: {  	s0 =	sadd.s32 @!p0 $0x100000, s0  }
0x62: {  	[sflag:s0] =	ssyncadd.tile.s32 @!p0 $0x1;
	_ =	shalt  }
.Lfunc_end2:
_tile_overlayer_lowered:
.L_overlay_start_2:
0x63: {  	(tag) =	ssettag $0x2  }
0x64: {  	s0 =	rddreg [dreg:$0x0];
	s2 =	stileid.u32  }
0x65: {  	s1 =	rddreg [dreg:$0x1];
	p0 =	sne.s32 s2, $0x0  }
0x66: {  	s3 =	rddreg [dreg:$0x2];
	[bflag:$0x3] =	sbarrier.arrive $0xFFFF;
	s2 =	simm.s32 @!p0 $0x1C03  }
0x67: {  	[timem:s3], [sflag:s2] =	dma.local @!p0 [hbm:s0], s1  }
0x68: {  	s0 =	simm.s32 @!p0 $0x3  }
0x69: {  	_ =	swait.ge @!p0 [sflag:s0], s1  }
0x6a: {  	s1 =	ssub.s32 @!p0 $0x0, s1;
	[sflag:s0] =	ssyncset.done @!p0 $0x0  }
0x6b: {  	[sflag:s0] =	ssyncadd.s32 @!p0 s1  }
0x6c: {  	[bflag:$0x3] =	sbarrier.arrive $0xFFFF  }
0x6d: {  	_ =	shalt  }

</sc_bundles>
